<compile_context>
chip_gen: v7x
topology: tpu7x:2x2x1
jax: 0.10.2.dev20260603
libtpu: 0.0.44.dev20260713+nightly
codegen_flags: <defaults>
</compile_context>

<pallas_src>
import functools

import jax
import jax.numpy as jnp
from jax.experimental import pallas as pl
from jax.experimental.pallas import tpu as pltpu

_BBOX_STD = (0.1, 0.1, 0.2, 0.2)
_PROPOSAL_COUNT = 1000
_NMS_THRESHOLD = 0.7
_PRE_NMS = 6000


def _proposal_kernel(anchors_ref, scores_ref, out_ref):
    n = anchors_ref.shape[2]
    a = anchors_ref[0]
    y1a = a[0:1, :]
    x1a = a[1:2, :]
    y2a = a[2:3, :]
    x2a = a[3:4, :]

    h = y2a - y1a
    w = x2a - x1a
    cy = y1a + 0.5 * h + y1a * h
    cx = x1a + 0.5 * w + x1a * w
    h = h * jnp.exp(y2a)
    w = w * jnp.exp(x2a)
    y1 = cy - 0.5 * h
    x1 = cx - 0.5 * w
    y2 = y1 + h
    x2 = x1 + w

    y1 = jnp.clip(y1, 0.0, 1.0)
    x1 = jnp.clip(x1, 0.0, 1.0)
    y2 = jnp.clip(y2, 0.0, 1.0)
    x2 = jnp.clip(x2, 0.0, 1.0)
    areas = (y2 - y1) * (x2 - x1)

    iota = jax.lax.broadcasted_iota(jnp.int32, (1, n), 1)
    lane4 = jax.lax.broadcasted_iota(jnp.int32, (1, 4), 1)

    out_ref[...] = jnp.zeros(out_ref.shape, jnp.float32)

    def step(t, avail):
        idx = jnp.min(jnp.where(avail > 0.5, iota, n))
        valid = idx < n
        idxs = jnp.where(valid, idx, 0)
        sel = iota == idxs
        by1 = jnp.sum(jnp.where(sel, y1, 0.0))
        bx1 = jnp.sum(jnp.where(sel, x1, 0.0))
        by2 = jnp.sum(jnp.where(sel, y2, 0.0))
        bx2 = jnp.sum(jnp.where(sel, x2, 0.0))
        area_i = (by2 - by1) * (bx2 - bx1)

        yy1 = jnp.maximum(by1, y1)
        xx1 = jnp.maximum(bx1, x1)
        yy2 = jnp.minimum(by2, y2)
        xx2 = jnp.minimum(bx2, x2)
        inter = jnp.maximum(yy2 - yy1, 0.0) * jnp.maximum(xx2 - xx1, 0.0)
        iou = inter / (area_i + areas - inter + 1e-9)
        suppress = jnp.logical_and(valid, iou > _NMS_THRESHOLD)
        avail = avail * jnp.where(jnp.logical_or(suppress, sel), 0.0, 1.0)

        fvalid = jnp.where(valid, 1.0, 0.0)
        row = (
            jnp.where(lane4 == 0, by1, 0.0)
            + jnp.where(lane4 == 1, bx1, 0.0)
            + jnp.where(lane4 == 2, by2, 0.0)
            + jnp.where(lane4 == 3, bx2, 0.0)
        ) * fvalid
        out_ref[0, pl.ds(t, 1), :] = row
        return avail

    jax.lax.fori_loop(0, _PROPOSAL_COUNT, step, jnp.ones((1, n), jnp.float32))


@jax.jit
def kernel(rpn_probs, rpn_bbox, anchors):
    del rpn_bbox
    b, a_total, _ = anchors.shape
    pre = min(_PRE_NMS, a_total)
    scores = rpn_probs[:, :, 1]
    chunks = 4
    if a_total % chunks == 0 and a_total // chunks > pre:
        cs = a_total // chunks
        v1, i1 = jax.lax.top_k(scores.reshape(b * chunks, cs), pre)
        base = (jnp.arange(b * chunks, dtype=jnp.int32) % chunks) * cs
        i1 = i1 + base[:, None]
        v1 = v1.reshape(b, chunks * pre)
        i1 = i1.reshape(b, chunks * pre)
        top_scores, i2 = jax.lax.top_k(v1, pre)
        ix = jnp.take_along_axis(i1, i2, axis=1)
    else:
        top_scores, ix = jax.lax.top_k(scores, pre)
    anchors_g = jnp.take_along_axis(anchors, ix[:, :, None], axis=1)
    anchors_t = anchors_g.transpose(0, 2, 1)
    scores3 = top_scores.reshape(b, 1, pre)

    return pl.pallas_call(
        _proposal_kernel,
        grid=(b,),
        in_specs=[
            pl.BlockSpec((1, 4, pre), lambda i: (i, 0, 0)),
            pl.BlockSpec((1, 1, pre), lambda i: (i, 0, 0)),
        ],
        out_specs=pl.BlockSpec((1, _PROPOSAL_COUNT, 4), lambda i: (i, 0, 0)),
        out_shape=jax.ShapeDtypeStruct((b, _PROPOSAL_COUNT, 4), jnp.float32),
        compiler_params=pltpu.CompilerParams(
            dimension_semantics=("parallel",),
        ),
    )(anchors_t, scores3)

# --- scband reference (transcript-rebuilt; emitter-appended) ---
"""Pipeline reference for scband-proposals-82231443849475 (READ-ONLY COPY).

The authoritative reference and input builder live on the scoring server;
editing this copy changes nothing except your own understanding.
"""

import jax, jax.numpy as jnp
import numpy as np

RPN_BBOX_STD_DEV = jnp.array([0.1, 0.1, 0.2, 0.2], dtype=jnp.float32)
PROPOSAL_COUNT = 1000
NMS_THRESHOLD = 0.7
PRE_NMS_LIMIT = 6000


def setup_inputs(seed: int = 0) -> dict:
    key = jax.random.key(seed)
    k1, k2, k3 = jax.random.split(key, 3)
    B, A = 4, 261888
    rpn_probs = jax.random.uniform(k1, (B, A, 2), dtype=jnp.float32)
    rpn_bbox = jax.random.normal(k2, (B, A, 4), dtype=jnp.float32)
    anchors = jax.random.uniform(k3, (B, A, 4), dtype=jnp.float32)
    return {"rpn_probs": rpn_probs, "rpn_bbox": rpn_bbox, "anchors": anchors}


def _apply_box_deltas(boxes):
    # Faithful to original code, which has `deltas = inputs[0]` (boxes reused as deltas)
    deltas = boxes
    height = boxes[:, 2] - boxes[:, 0]
    width = boxes[:, 3] - boxes[:, 1]
    center_y = boxes[:, 0] + 0.5 * height
    center_x = boxes[:, 1] + 0.5 * width
    center_y = center_y + deltas[:, 0] * height
    center_x = center_x + deltas[:, 1] * width
    height = height * jnp.exp(deltas[:, 2])
    width = width * jnp.exp(deltas[:, 3])
    y1 = center_y - 0.5 * height
    x1 = center_x - 0.5 * width
    y2 = y1 + height
    x2 = x1 + width
    return jnp.stack([y1, x1, y2, x2], axis=1)


def _clip_boxes(boxes):
    return jnp.clip(boxes, 0.0, 1.0)


def _nms_single(boxes, scores):
    n = boxes.shape[0]
    order = jnp.argsort(-scores)
    boxes_s = boxes[order]
    areas = (boxes_s[:, 2] - boxes_s[:, 0]) * (boxes_s[:, 3] - boxes_s[:, 1])

    def step(suppressed, _):
        avail = jnp.logical_not(suppressed)
        idx = jnp.argmax(avail)
        valid = avail[idx]
        box = boxes_s[idx]
        yy1 = jnp.maximum(box[0], boxes_s[:, 0])
        xx1 = jnp.maximum(box[1], boxes_s[:, 1])
        yy2 = jnp.minimum(box[2], boxes_s[:, 2])
        xx2 = jnp.minimum(box[3], boxes_s[:, 3])
        inter = jnp.maximum(yy2 - yy1, 0.0) * jnp.maximum(xx2 - xx1, 0.0)
        area_i = (box[2] - box[0]) * (box[3] - box[1])
        iou = inter / (area_i + areas - inter + 1e-9)
        new_sup = jnp.logical_or(suppressed, jnp.logical_and(valid, iou > NMS_THRESHOLD))
        new_sup = new_sup.at[idx].set(True)
        out_box = jnp.where(valid, box, jnp.zeros_like(box))
        return new_sup, out_box

    _, sel = jax.lax.scan(step, jnp.zeros((n,), dtype=bool), None, length=PROPOSAL_COUNT)
    return sel


def reference(rpn_probs, rpn_bbox, anchors):
    scores = rpn_probs[:, :, 1]
    deltas = rpn_bbox * RPN_BBOX_STD_DEV.reshape(1, 1, 4)
    pre = min(PRE_NMS_LIMIT, anchors.shape[1])
    top_scores, ix = jax.lax.top_k(scores, pre)
    deltas_g = jnp.take_along_axis(deltas, ix[:, :, None], axis=1)  # gathered but unused, as in original
    anchors_g = jnp.take_along_axis(anchors, ix[:, :, None], axis=1)
    boxes = jax.vmap(_apply_box_deltas)(anchors_g)
    boxes = jax.vmap(_clip_boxes)(boxes)
    proposals = jax.vmap(_nms_single)(boxes, top_scores)
    return proposals

if __name__ == "__main__":
    import jax
    _d = setup_inputs()
    print(jax.jit(kernel)(*tuple(_d.values())))

</pallas_src>

<mosaic_0001>
module attributes {stable_mosaic.version = 14 : i64} {
  func.func @_proposal_kernel(%arg0: i32, %arg1: memref<1x4x6000xf32, #tpu.memory_space<vmem>>, %arg2: memref<1x1x6000xf32, #tpu.memory_space<vmem>>, %arg3: memref<1x1000x4xf32, #tpu.memory_space<vmem>>) attributes {dimension_semantics = [#tpu.dimension_semantics<parallel>], iteration_bounds = array<i64: 4>, scalar_prefetch = 0 : i64, scratch_operands = 0 : i64, tpu.core_type = #tpu.core_type<tc>, window_params = [{transform_indices = @transform_0, window_bounds = array<i64: 1, 4, 6000>}, {transform_indices = @transform_1, window_bounds = array<i64: 1, 1, 6000>}, {transform_indices = @transform_2, window_bounds = array<i64: 1, 1000, 4>}]} {
    %get3A = arith.constant 0 : index
    %get3A_0 = arith.constant 0 : index
    %get3A_1 = arith.constant 0 : index
    %get3A_2 = vector.load %arg1[%get3A, %get3A_0, %get3A_1] : memref<1x4x6000xf32, #tpu.memory_space<vmem>>, vector<1x4x6000xf32>
    %get3A_3 = vector.shape_cast %get3A_2 : vector<1x4x6000xf32> to vector<4x6000xf32>
    %slice3A = vector.extract_strided_slice %get3A_3 {offsets = [0, 0], sizes = [1, 6000], strides = [1, 1]} : vector<4x6000xf32> to vector<1x6000xf32>
    %slice3A_4 = vector.extract_strided_slice %get3A_3 {offsets = [1, 0], sizes = [1, 6000], strides = [1, 1]} : vector<4x6000xf32> to vector<1x6000xf32>
    %slice3A_5 = vector.extract_strided_slice %get3A_3 {offsets = [2, 0], sizes = [1, 6000], strides = [1, 1]} : vector<4x6000xf32> to vector<1x6000xf32>
    %slice3A_6 = vector.extract_strided_slice %get3A_3 {offsets = [3, 0], sizes = [1, 6000], strides = [1, 1]} : vector<4x6000xf32> to vector<1x6000xf32>
    %sub3A = arith.subf %slice3A_5, %slice3A : vector<1x6000xf32>
    %sub3A_7 = arith.subf %slice3A_6, %slice3A_4 : vector<1x6000xf32>
    %mul3A = arith.constant 5.000000e-01 : f32
    %mul3A_8 = vector.broadcast %mul3A : f32 to vector<1x6000xf32>
    %mul3A_9 = arith.mulf %mul3A_8, %sub3A : vector<1x6000xf32>
    %add3A = arith.addf %slice3A, %mul3A_9 : vector<1x6000xf32>
    %mul3A_10 = arith.mulf %slice3A, %sub3A : vector<1x6000xf32>
    %add3A_11 = arith.addf %add3A, %mul3A_10 : vector<1x6000xf32>
    %mul3A_12 = arith.constant 5.000000e-01 : f32
    %mul3A_13 = vector.broadcast %mul3A_12 : f32 to vector<1x6000xf32>
    %mul3A_14 = arith.mulf %mul3A_13, %sub3A_7 : vector<1x6000xf32>
    %add3A_15 = arith.addf %slice3A_4, %mul3A_14 : vector<1x6000xf32>
    %mul3A_16 = arith.mulf %slice3A_4, %sub3A_7 : vector<1x6000xf32>
    %add3A_17 = arith.addf %add3A_15, %mul3A_16 : vector<1x6000xf32>
    %exp3A = math.exp %slice3A_5 : vector<1x6000xf32>
    %mul3A_18 = arith.mulf %sub3A, %exp3A : vector<1x6000xf32>
    %exp3A_19 = math.exp %slice3A_6 : vector<1x6000xf32>
    %mul3A_20 = arith.mulf %sub3A_7, %exp3A_19 : vector<1x6000xf32>
    %mul3A_21 = arith.constant 5.000000e-01 : f32
    %mul3A_22 = vector.broadcast %mul3A_21 : f32 to vector<1x6000xf32>
    %mul3A_23 = arith.mulf %mul3A_22, %mul3A_18 : vector<1x6000xf32>
    %sub3A_24 = arith.subf %add3A_11, %mul3A_23 : vector<1x6000xf32>
    %mul3A_25 = arith.constant 5.000000e-01 : f32
    %mul3A_26 = vector.broadcast %mul3A_25 : f32 to vector<1x6000xf32>
    %mul3A_27 = arith.mulf %mul3A_26, %mul3A_20 : vector<1x6000xf32>
    %sub3A_28 = arith.subf %add3A_17, %mul3A_27 : vector<1x6000xf32>
    %add3A_29 = arith.addf %sub3A_24, %mul3A_18 : vector<1x6000xf32>
    %add3A_30 = arith.addf %sub3A_28, %mul3A_20 : vector<1x6000xf32>
    %jit3A = arith.constant 0.000000e+00 : f32
    %jit3A_31 = arith.constant 1.000000e+00 : f32
    %max3A = vector.broadcast %jit3A : f32 to vector<1x6000xf32>
    %max3A_32 = arith.maximumf %max3A, %sub3A_24 : vector<1x6000xf32>
    %min3A = vector.broadcast %jit3A_31 : f32 to vector<1x6000xf32>
    %min3A_33 = arith.minimumf %min3A, %max3A_32 : vector<1x6000xf32>
    %jit3A_34 = arith.constant 0.000000e+00 : f32
    %jit3A_35 = arith.constant 1.000000e+00 : f32
    %max3A_36 = vector.broadcast %jit3A_34 : f32 to vector<1x6000xf32>
    %max3A_37 = arith.maximumf %max3A_36, %sub3A_28 : vector<1x6000xf32>
    %min3A_38 = vector.broadcast %jit3A_35 : f32 to vector<1x6000xf32>
    %min3A_39 = arith.minimumf %min3A_38, %max3A_37 : vector<1x6000xf32>
    %jit3A_40 = arith.constant 0.000000e+00 : f32
    %jit3A_41 = arith.constant 1.000000e+00 : f32
    %max3A_42 = vector.broadcast %jit3A_40 : f32 to vector<1x6000xf32>
    %max3A_43 = arith.maximumf %max3A_42, %add3A_29 : vector<1x6000xf32>
    %min3A_44 = vector.broadcast %jit3A_41 : f32 to vector<1x6000xf32>
    %min3A_45 = arith.minimumf %min3A_44, %max3A_43 : vector<1x6000xf32>
    %jit3A_46 = arith.constant 0.000000e+00 : f32
    %jit3A_47 = arith.constant 1.000000e+00 : f32
    %max3A_48 = vector.broadcast %jit3A_46 : f32 to vector<1x6000xf32>
    %max3A_49 = arith.maximumf %max3A_48, %add3A_30 : vector<1x6000xf32>
    %min3A_50 = vector.broadcast %jit3A_47 : f32 to vector<1x6000xf32>
    %min3A_51 = arith.minimumf %min3A_50, %max3A_49 : vector<1x6000xf32>
    %sub3A_52 = arith.subf %min3A_45, %min3A_33 : vector<1x6000xf32>
    %sub3A_53 = arith.subf %min3A_51, %min3A_39 : vector<1x6000xf32>
    %mul3A_54 = arith.mulf %sub3A_52, %sub3A_53 : vector<1x6000xf32>
    %iota3A = tpu.iota {dimensions = array<i32: 1>} : vector<1x6000xi32>
    %iota3A_55 = tpu.iota {dimensions = array<i32: 1>} : vector<1x4xi32>
    %broadcast_in_dim3A = arith.constant 0.000000e+00 : f32
    %broadcast_in_dim3A_56 = vector.broadcast %broadcast_in_dim3A : f32 to vector<1x1000x4xf32>
    %swap3A = arith.constant 0 : index
    %swap3A_57 = arith.constant 0 : index
    %swap3A_58 = arith.constant 0 : index
    %swap3A_59 = vector.load %arg3[%swap3A, %swap3A_57, %swap3A_58] : memref<1x1000x4xf32, #tpu.memory_space<vmem>>, vector<1x1000x4xf32>
    tpu.vector_store %arg3[%swap3A, %swap3A_57, %swap3A_58], %broadcast_in_dim3A_56 {strides = array<i32>} : memref<1x1000x4xf32, #tpu.memory_space<vmem>>, vector<1x1000x4xf32>,
    %broadcast_in_dim3A_60 = arith.constant 1.000000e+00 : f32
    %broadcast_in_dim3A_61 = vector.broadcast %broadcast_in_dim3A_60 : f32 to vector<1x6000xf32>
    %scan3A = arith.constant 0 : i32
    %scan3A_62 = arith.constant 1000 : i32
    %scan3A_63 = arith.addi %scan3A, %scan3A_62 : i32
    %scan3A_64 = arith.constant 1 : i32
    %scan3A_65 = scf.for %scan3A_67 = %scan3A to %scan3A_63 step %scan3A_64 iter_args(%scan3A_68 = %broadcast_in_dim3A_61) -> (vector<1x6000xf32>)  : i32 {
      %gt3A = arith.constant 5.000000e-01 : f32
      %gt3A_69 = vector.broadcast %gt3A : f32 to vector<1x6000xf32>
      %gt3A_70 = arith.cmpf ogt, %scan3A_68, %gt3A_69 : vector<1x6000xf32>
      %jit3A_71 = arith.constant 6000 : i32
      %broadcast_in_dim3A_72 = vector.broadcast %jit3A_71 : i32 to vector<1x6000xi32>
      %select_n3A = arith.select %gt3A_70, %iota3A, %broadcast_in_dim3A_72 : vector<1x6000xi1>, vector<1x6000xi32>
      %reduce_min3A = vector.shape_cast %select_n3A : vector<1x6000xi32> to vector<1x1x6000xi32>
      %reduce_min3A_73 = arith.constant dense<2147483647> : vector<1xi32>
      %reduce_min3A_74 = vector.multi_reduction <minsi>, %reduce_min3A, %reduce_min3A_73 [1, 2] : vector<1x1x6000xi32> to vector<1xi32>
      %reduce_min3A_75 = vector.shape_cast %reduce_min3A_74 : vector<1xi32> to vector<1x1x1xi32>
      %reduce_min3A_76 = vector.extract %reduce_min3A_75[0, 0, 0] : i32 from vector<1x1x1xi32>
      %lt3A = arith.constant 6000 : i32
      %lt3A_77 = arith.cmpi slt, %reduce_min3A_76, %lt3A : i32
      %jit3A_78 = arith.constant 0 : i32
      %select_n3A_79 = arith.select %lt3A_77, %reduce_min3A_76, %jit3A_78 : i32
      %eq3A = vector.broadcast %select_n3A_79 : i32 to vector<1x6000xi32>
      %eq3A_80 = arith.cmpi eq, %iota3A, %eq3A : vector<1x6000xi32>
      %jit3A_81 = arith.constant 0.000000e+00 : f32
      %broadcast_in_dim3A_82 = vector.broadcast %jit3A_81 : f32 to vector<1x6000xf32>
      %select_n3A_83 = arith.select %eq3A_80, %min3A_33, %broadcast_in_dim3A_82 : vector<1x6000xi1>, vector<1x6000xf32>
      %reduce_sum3A = vector.shape_cast %select_n3A_83 : vector<1x6000xf32> to vector<1x1x6000xf32>
      %reduce_sum3A_84 = arith.constant dense<0.000000e+00> : vector<1xf32>
      %reduce_sum3A_85 = vector.multi_reduction <add>, %reduce_sum3A, %reduce_sum3A_84 [1, 2] : vector<1x1x6000xf32> to vector<1xf32>
      %reduce_sum3A_86 = vector.shape_cast %reduce_sum3A_85 : vector<1xf32> to vector<1x1x1xf32>
      %reduce_sum3A_87 = vector.extract %reduce_sum3A_86[0, 0, 0] : f32 from vector<1x1x1xf32>
      %jit3A_88 = arith.constant 0.000000e+00 : f32
      %broadcast_in_dim3A_89 = vector.broadcast %jit3A_88 : f32 to vector<1x6000xf32>
      %select_n3A_90 = arith.select %eq3A_80, %min3A_39, %broadcast_in_dim3A_89 : vector<1x6000xi1>, vector<1x6000xf32>
      %reduce_sum3A_91 = vector.shape_cast %select_n3A_90 : vector<1x6000xf32> to vector<1x1x6000xf32>
      %reduce_sum3A_92 = arith.constant dense<0.000000e+00> : vector<1xf32>
      %reduce_sum3A_93 = vector.multi_reduction <add>, %reduce_sum3A_91, %reduce_sum3A_92 [1, 2] : vector<1x1x6000xf32> to vector<1xf32>
      %reduce_sum3A_94 = vector.shape_cast %reduce_sum3A_93 : vector<1xf32> to vector<1x1x1xf32>
      %reduce_sum3A_95 = vector.extract %reduce_sum3A_94[0, 0, 0] : f32 from vector<1x1x1xf32>
      %jit3A_96 = arith.constant 0.000000e+00 : f32
      %broadcast_in_dim3A_97 = vector.broadcast %jit3A_96 : f32 to vector<1x6000xf32>
      %select_n3A_98 = arith.select %eq3A_80, %min3A_45, %broadcast_in_dim3A_97 : vector<1x6000xi1>, vector<1x6000xf32>
      %reduce_sum3A_99 = vector.shape_cast %select_n3A_98 : vector<1x6000xf32> to vector<1x1x6000xf32>
      %reduce_sum3A_100 = arith.constant dense<0.000000e+00> : vector<1xf32>
      %reduce_sum3A_101 = vector.multi_reduction <add>, %reduce_sum3A_99, %reduce_sum3A_100 [1, 2] : vector<1x1x6000xf32> to vector<1xf32>
      %reduce_sum3A_102 = vector.shape_cast %reduce_sum3A_101 : vector<1xf32> to vector<1x1x1xf32>
      %reduce_sum3A_103 = vector.extract %reduce_sum3A_102[0, 0, 0] : f32 from vector<1x1x1xf32>
      %jit3A_104 = arith.constant 0.000000e+00 : f32
      %broadcast_in_dim3A_105 = vector.broadcast %jit3A_104 : f32 to vector<1x6000xf32>
      %select_n3A_106 = arith.select %eq3A_80, %min3A_51, %broadcast_in_dim3A_105 : vector<1x6000xi1>, vector<1x6000xf32>
      %reduce_sum3A_107 = vector.shape_cast %select_n3A_106 : vector<1x6000xf32> to vector<1x1x6000xf32>
      %reduce_sum3A_108 = arith.constant dense<0.000000e+00> : vector<1xf32>
      %reduce_sum3A_109 = vector.multi_reduction <add>, %reduce_sum3A_107, %reduce_sum3A_108 [1, 2] : vector<1x1x6000xf32> to vector<1xf32>
      %reduce_sum3A_110 = vector.shape_cast %reduce_sum3A_109 : vector<1xf32> to vector<1x1x1xf32>
      %reduce_sum3A_111 = vector.extract %reduce_sum3A_110[0, 0, 0] : f32 from vector<1x1x1xf32>
      %sub3A_112 = arith.subf %reduce_sum3A_103, %reduce_sum3A_87 : f32
      %sub3A_113 = arith.subf %reduce_sum3A_111, %reduce_sum3A_95 : f32
      %mul3A_114 = arith.mulf %sub3A_112, %sub3A_113 : f32
      %max3A_115 = vector.broadcast %reduce_sum3A_87 : f32 to vector<1x6000xf32>
      %max3A_116 = arith.maximumf %max3A_115, %min3A_33 : vector<1x6000xf32>
      %max3A_117 = vector.broadcast %reduce_sum3A_95 : f32 to vector<1x6000xf32>
      %max3A_118 = arith.maximumf %max3A_117, %min3A_39 : vector<1x6000xf32>
      %min3A_119 = vector.broadcast %reduce_sum3A_103 : f32 to vector<1x6000xf32>
      %min3A_120 = arith.minimumf %min3A_119, %min3A_45 : vector<1x6000xf32>
      %min3A_121 = vector.broadcast %reduce_sum3A_111 : f32 to vector<1x6000xf32>
      %min3A_122 = arith.minimumf %min3A_121, %min3A_51 : vector<1x6000xf32>
      %sub3A_123 = arith.subf %min3A_120, %max3A_116 : vector<1x6000xf32>
      %max3A_124 = arith.constant 0.000000e+00 : f32
      %max3A_125 = vector.broadcast %max3A_124 : f32 to vector<1x6000xf32>
      %max3A_126 = arith.maximumf %sub3A_123, %max3A_125 : vector<1x6000xf32>
      %sub3A_127 = arith.subf %min3A_122, %max3A_118 : vector<1x6000xf32>
      %max3A_128 = arith.constant 0.000000e+00 : f32
      %max3A_129 = vector.broadcast %max3A_128 : f32 to vector<1x6000xf32>
      %max3A_130 = arith.maximumf %sub3A_127, %max3A_129 : vector<1x6000xf32>
      %mul3A_131 = arith.mulf %max3A_126, %max3A_130 : vector<1x6000xf32>
      %add3A_132 = vector.broadcast %mul3A_114 : f32 to vector<1x6000xf32>
      %add3A_133 = arith.addf %add3A_132, %mul3A_54 : vector<1x6000xf32>
      %sub3A_134 = arith.subf %add3A_133, %mul3A_131 : vector<1x6000xf32>
      %add3A_135 = arith.constant 9.99999971E-10 : f32
      %add3A_136 = vector.broadcast %add3A_135 : f32 to vector<1x6000xf32>
      %add3A_137 = arith.addf %sub3A_134, %add3A_136 : vector<1x6000xf32>
      %div3A = arith.divf %mul3A_131, %add3A_137 : vector<1x6000xf32>
      %gt3A_138 = arith.constant 0.699999988 : f32
      %gt3A_139 = vector.broadcast %gt3A_138 : f32 to vector<1x6000xf32>
      %gt3A_140 = arith.cmpf ogt, %div3A, %gt3A_139 : vector<1x6000xf32>
      %and3A = vector.broadcast %lt3A_77 : i1 to vector<1x6000xi1>
      %and3A_141 = arith.andi %and3A, %gt3A_140 : vector<1x6000xi1>
      %or3A = arith.ori %and3A_141, %eq3A_80 : vector<1x6000xi1>
      %jit3A_142 = arith.constant 0.000000e+00 : f32
      %jit3A_143 = arith.constant 1.000000e+00 : f32
      %broadcast_in_dim3A_144 = vector.broadcast %jit3A_142 : f32 to vector<1x6000xf32>
      %broadcast_in_dim3A_145 = vector.broadcast %jit3A_143 : f32 to vector<1x6000xf32>
      %select_n3A_146 = arith.select %or3A, %broadcast_in_dim3A_144, %broadcast_in_dim3A_145 : vector<1x6000xi1>, vector<1x6000xf32>
      %mul3A_147 = arith.mulf %scan3A_68, %select_n3A_146 : vector<1x6000xf32>
      %jit3A_148 = arith.constant 1.000000e+00 : f32
      %jit3A_149 = arith.constant 0.000000e+00 : f32
      %select_n3A_150 = arith.select %lt3A_77, %jit3A_148, %jit3A_149 : f32
      %eq3A_151 = arith.constant 0 : i32
      %eq3A_152 = vector.broadcast %eq3A_151 : i32 to vector<1x4xi32>
      %eq3A_153 = arith.cmpi eq, %iota3A_55, %eq3A_152 : vector<1x4xi32>
      %jit3A_154 = arith.constant 0.000000e+00 : f32
      %broadcast_in_dim3A_155 = vector.broadcast %reduce_sum3A_87 : f32 to vector<1x4xf32>
      %broadcast_in_dim3A_156 = vector.broadcast %jit3A_154 : f32 to vector<1x4xf32>
      %select_n3A_157 = arith.select %eq3A_153, %broadcast_in_dim3A_155, %broadcast_in_dim3A_156 : vector<1x4xi1>, vector<1x4xf32>
      %eq3A_158 = arith.constant 1 : i32
      %eq3A_159 = vector.broadcast %eq3A_158 : i32 to vector<1x4xi32>
      %eq3A_160 = arith.cmpi eq, %iota3A_55, %eq3A_159 : vector<1x4xi32>
      %jit3A_161 = arith.constant 0.000000e+00 : f32
      %broadcast_in_dim3A_162 = vector.broadcast %reduce_sum3A_95 : f32 to vector<1x4xf32>
      %broadcast_in_dim3A_163 = vector.broadcast %jit3A_161 : f32 to vector<1x4xf32>
      %select_n3A_164 = arith.select %eq3A_160, %broadcast_in_dim3A_162, %broadcast_in_dim3A_163 : vector<1x4xi1>, vector<1x4xf32>
      %add3A_165 = arith.addf %select_n3A_157, %select_n3A_164 : vector<1x4xf32>
      %eq3A_166 = arith.constant 2 : i32
      %eq3A_167 = vector.broadcast %eq3A_166 : i32 to vector<1x4xi32>
      %eq3A_168 = arith.cmpi eq, %iota3A_55, %eq3A_167 : vector<1x4xi32>
      %jit3A_169 = arith.constant 0.000000e+00 : f32
      %broadcast_in_dim3A_170 = vector.broadcast %reduce_sum3A_103 : f32 to vector<1x4xf32>
      %broadcast_in_dim3A_171 = vector.broadcast %jit3A_169 : f32 to vector<1x4xf32>
      %select_n3A_172 = arith.select %eq3A_168, %broadcast_in_dim3A_170, %broadcast_in_dim3A_171 : vector<1x4xi1>, vector<1x4xf32>
      %add3A_173 = arith.addf %add3A_165, %select_n3A_172 : vector<1x4xf32>
      %eq3A_174 = arith.constant 3 : i32
      %eq3A_175 = vector.broadcast %eq3A_174 : i32 to vector<1x4xi32>
      %eq3A_176 = arith.cmpi eq, %iota3A_55, %eq3A_175 : vector<1x4xi32>
      %jit3A_177 = arith.constant 0.000000e+00 : f32
      %broadcast_in_dim3A_178 = vector.broadcast %reduce_sum3A_111 : f32 to vector<1x4xf32>
      %broadcast_in_dim3A_179 = vector.broadcast %jit3A_177 : f32 to vector<1x4xf32>
      %select_n3A_180 = arith.select %eq3A_176, %broadcast_in_dim3A_178, %broadcast_in_dim3A_179 : vector<1x4xi1>, vector<1x4xf32>
      %add3A_181 = arith.addf %add3A_173, %select_n3A_180 : vector<1x4xf32>
      %mul3A_182 = vector.broadcast %select_n3A_150 : f32 to vector<1x4xf32>
      %mul3A_183 = arith.mulf %add3A_181, %mul3A_182 : vector<1x4xf32>
      %swap3A_184 = arith.constant 0 : index
      %swap3A_185 = arith.index_cast %scan3A_67 : i32 to index
      %swap3A_186 = arith.constant 0 : index
      %swap3A_187 = vector.load %arg3[%swap3A_184, %swap3A_185, %swap3A_186] : memref<1x1000x4xf32, #tpu.memory_space<vmem>>, vector<1x1x4xf32>
      %swap3A_188 = vector.shape_cast %swap3A_187 : vector<1x1x4xf32> to vector<1x4xf32>
      %swap3A_189 = vector.shape_cast %mul3A_183 : vector<1x4xf32> to vector<1x1x4xf32>
      tpu.vector_store %arg3[%swap3A_184, %swap3A_185, %swap3A_186], %swap3A_189 {strides = array<i32>} : memref<1x1000x4xf32, #tpu.memory_space<vmem>>, vector<1x1x4xf32>,
      scf.yield %mul3A_147 : vector<1x6000xf32>
    }
    %scan3A_66 = arith.constant 1000 : i32
    return
  }
  func.func @transform_0(%arg0: i32) -> (i32, i32, i32) {
    %c0_i32 = arith.constant 0 : i32
    %c0_i32_0 = arith.constant 0 : i32
    %c0_i32_1 = arith.constant 0 : i32
    return %arg0, %c0_i32, %c0_i32_0 : i32, i32, i32
  }
  func.func @transform_1(%arg0: i32) -> (i32, i32, i32) {
    %c0_i32 = arith.constant 0 : i32
    %c0_i32_0 = arith.constant 0 : i32
    %c0_i32_1 = arith.constant 0 : i32
    return %arg0, %c0_i32, %c0_i32_0 : i32, i32, i32
  }
  func.func @transform_2(%arg0: i32) -> (i32, i32, i32) {
    %c0_i32 = arith.constant 0 : i32
    %c0_i32_0 = arith.constant 0 : i32
    %c0_i32_1 = arith.constant 0 : i32
    return %arg0, %c0_i32, %c0_i32_0 : i32, i32, i32
  }
}

</mosaic_0001>

<sc_bundles>
// kernel: gather_offload_async_start.1
scs
__scs_entry_jumppad:
0x0: {  	(pc) =	sbr.rel $0x88, $3  }
0x1: {  	(tag) =	ssettag $0x0;
	lr =	simm.s32 $0x1  }
0x2: {  	[smem:$0x3F9F] =	sst lr;
	_ =	strace $0xD0000000  }
0x3: {  	_ = 	snop  }
0x4: {  	_ = 	snop  }
0x5: {  	_ = 	snop  }
0x6: {  	_ = 	snop  }
0x7: {  	_ = 	snop  }
__scs_overlays_trampoline_lowered:
0x8: {  	[smem:$0x3FAE] =	sst s0  }
0x9: {  	[smem:$0x3FAF] =	sst s1  }
0xa: {  	[smem:$0x3FB0] =	sst s2  }
0xb: {  	[smem:$0x3FB1] =	sst s3  }
0xc: {  	[smem:$0x3FB2] =	sst s4  }
0xd: {  	[smem:$0x3FB3] =	sst s5  }
0xe: {  	[smem:$0x3FB4] =	sst s6  }
0xf: {  	[smem:$0x3FB5] =	sst s7  }
0x10: {  	[smem:$0x3FB6] =	sst s8  }
0x11: {  	[smem:$0x3FB7] =	sst s9;
	s0 =	simm.s32 @!p0 $0x0  }
0x12: {  	s1 =	sld [smem:$0x3F9D];
	s0 =	simm.s32 @p0 $0x1  }
0x13: {  	[smem:$0x3FB8] =	sst s0;
	s0 =	simm.s32 @!p1 $0x0  }
0x14: {  	s2 =	sld [smem:$0x3F9C];
	s0 =	simm.s32 @p1 $0x1  }
0x15: {  	[smem:$0x3FB9] =	sst s0;
	s0 =	simm.s32 @!p2 $0x0  }
0x16: {  	s3 =	sld [smem:$0x3FDB];
	s0 =	simm.s32 @p2 $0x1  }
0x17: {  	s4 =	simm.s32 $0x1BF5;
	[smem:$0x3FBB] =	sst s0  }
0x18: {  	s0 =	sld [smem:$0x3F9E];
	_ =	swait.ge [sflag:s4], $0x0  }
0x19: {  	s7 =	sld [smem:$0x3F9F]  }
0x1a: {  	s8 =	sadd.s32 $0xFFFFE003, lr  }
0x1b: {  	s9 =	sadd.s32 $0xFFFFFEF7, lr;
	s5 =	simm.s32 $0xFFFFFFFF;
	p2 =	slt.u32 s8, $0xFFFFF086  }
0x1c: {  	p1 =	slt.u32 s9, $0xF7A;
	s5 =	simm.s32 @!p2 $0x0  }
0x1d: {  	s5 =	simm.s32 @p1 $0x1;
	p0 =	seq.s32 s7, s2  }
0x1e: {  	s7 =	smul.u32 @!p0 $0xF7A, s2;
	p2 =	seq.s32 @!p0 s5, $0x0  }
0x1f: {  	s9 =	smul.u32 $0xF7A, s1;
	s8 =	simm.s32 @!p0 $0x1BF5;
	p2 =	por !p2, p0  }
0x20: {  	[sflag:s8] =	ssyncset.s32 @!p0 $0xFFFFF086;
	s6 =	sadd.s32 @!p0 s3, s7;
	s7 =	simm.s32 @!p0 $0x108  }
0x21: {  	s3 =	sadd.s32 s3, s9;
	s6 =	sadd.s32 @!p0 $0x88, s6;
	s7 =	simm.s32 @p2 $0x1082  }
0x22: {  	[simem:s7], [sflag:s8] =	dma.local @!p0 [hbm:s6], $0xF7A  }
0x23: {  	s9 =	sor.u32 $0xD0000000, s2;
	s6 =	simm.s32 $0x108;
	_ =	swait.ge @!p0 [sflag:s8], $0x0  }
0x24: {  	s3 =	sadd.s32 $0x88, s3;
	s6 =	simm.s32 @!p1 $0x1082;
	[sflag:s4] =	ssyncset.s32 $0xFFFFF086  }
0x25: {  	[simem:s6], [sflag:s4] =	dma.local [hbm:s3], $0xF7A  }
0x26: {  	[smem:$0x3F9F] =	sst s1;
	(tag) =	ssettag s2;
	_ =	strace s9  }
0x27: {  	s1 =	sld [smem:$0x3FAF]  }
0x28: {  	s2 =	sld [smem:$0x3FB0]  }
0x29: {  	s4 =	sld [smem:$0x3FB2]  }
0x2a: {  	p0 =	seq.s32 s5, $0x0;
	s5 =	sld [smem:$0x3FB3]  }
0x2b: {  	s6 =	sld [smem:$0x3FB4]  }
0x2c: {  	s7 =	sld [smem:$0x3FB5]  }
0x2d: {  	s3 =	simm.s32 $0x108;
	s8 =	sld [smem:$0x3FB6]  }
0x2e: {  	s3 =	simm.s32 @!p0 $0x1082;
	s9 =	sld [smem:$0x3FB7]  }
0x2f: {  	lr =	sadd.s32 s0, s3;
	s0 =	sld [smem:$0x3FAE]  }
0x30: {  	s3 =	sld [smem:$0x3FB1]  }
0x31: {  	[smem:$0x3FBA] =	sst s10  }
0x32: {  	s10 =	sld [smem:$0x3FB8];
	_ =	sdelay $0x3  }
0x33: {  	p0 =	seq.s32 s10, $0x1;
	s10 =	sld [smem:$0x3FBA];
	_ =	sdelay $0x3  }
0x34: {  	[smem:$0x3FBA] =	sst s10  }
0x35: {  	s10 =	sld [smem:$0x3FB9];
	_ =	sdelay $0x3  }
0x36: {  	p1 =	seq.s32 s10, $0x1;
	s10 =	sld [smem:$0x3FBA];
	_ =	sdelay $0x3  }
0x37: {  	[smem:$0x3FBA] =	sst s10  }
0x38: {  	s10 =	sld [smem:$0x3FBB]  }
0x39: {  	_ = 	snop;
	(pc) =	sbr.ind lr, $3  }
0x3a: {  	_ = 	snop  }
0x3b: {  	_ = 	snop  }
0x3c: {  	p2 =	seq.s32 s10, $0x1;
	s10 =	sld [smem:$0x3FBA]  }
0x3d: {  	_ =	shalt  }
0x3e: {  	_ =	shalt  }
0x3f: {  	_ =	shalt  }
0x40: {  	_ =	shalt  }
0x41: {  	_ =	shalt  }
0x42: {  	_ =	shalt  }
0x43: {  	_ =	shalt  }
0x44: {  	_ =	shalt  }
0x45: {  	_ =	shalt  }
0x46: {  	_ =	shalt  }
0x47: {  	_ =	shalt  }
0x48: {  	_ =	shalt  }
0x49: {  	_ =	shalt  }
0x4a: {  	_ =	shalt  }
0x4b: {  	_ =	shalt  }
0x4c: {  	_ =	shalt  }
0x4d: {  	_ =	shalt  }
0x4e: {  	_ =	shalt  }
0x4f: {  	_ =	shalt  }
0x50: {  	_ =	shalt  }
0x51: {  	_ =	shalt  }
0x52: {  	_ =	shalt  }
0x53: {  	_ =	shalt  }
0x54: {  	_ =	shalt  }
0x55: {  	_ =	shalt  }
0x56: {  	_ =	shalt  }
0x57: {  	_ =	shalt  }
0x58: {  	_ =	shalt  }
0x59: {  	_ =	shalt  }
0x5a: {  	_ =	shalt  }
0x5b: {  	_ =	shalt  }
0x5c: {  	_ =	shalt  }
0x5d: {  	_ =	shalt  }
0x5e: {  	_ =	shalt  }
0x5f: {  	_ =	shalt  }
0x60: {  	_ =	shalt  }
0x61: {  	_ =	shalt  }
0x62: {  	_ =	shalt  }
0x63: {  	_ =	shalt  }
0x64: {  	_ =	shalt  }
0x65: {  	_ =	shalt  }
0x66: {  	_ =	shalt  }
0x67: {  	_ =	shalt  }
0x68: {  	_ =	shalt  }
0x69: {  	_ =	shalt  }
0x6a: {  	_ =	shalt  }
0x6b: {  	_ =	shalt  }
0x6c: {  	_ =	shalt  }
0x6d: {  	_ =	shalt  }
0x6e: {  	_ =	shalt  }
0x6f: {  	_ =	shalt  }
0x70: {  	_ =	shalt  }
0x71: {  	_ =	shalt  }
0x72: {  	_ =	shalt  }
0x73: {  	_ =	shalt  }
0x74: {  	_ =	shalt  }
0x75: {  	_ =	shalt  }
0x76: {  	_ =	shalt  }
0x77: {  	_ =	shalt  }
0x78: {  	_ =	shalt  }
0x79: {  	_ =	shalt  }
0x7a: {  	_ =	shalt  }
0x7b: {  	_ =	shalt  }
0x7c: {  	_ =	shalt  }
0x7d: {  	_ =	shalt  }
0x7e: {  	_ =	shalt  }
0x7f: {  	_ =	shalt  }
0x80: {  	_ =	shalt  }
0x81: {  	_ =	shalt  }
0x82: {  	_ =	shalt  }
0x83: {  	_ =	shalt  }
0x84: {  	_ =	shalt  }
0x85: {  	_ =	shalt  }
0x86: {  	_ =	shalt  }
0x87: {  	_ =	shalt  }
.Lfunc_end0:
.L_simem_size_0:
called_computation.1_lowered:
.L_overlay_start_0:
0x88: {  	s2 =	sld [smem:$0x3FD9]  }
0x89: {  	s3 =	sld [smem:$0x3FFE];
	_ =	sdelay $0x1  }
0x8a: {  	s1 =	srdreg.scid  }
0x8b: {  	s0 =	sand.u32 $0x1, s1  }
0x8c: {  	s17 =	sshll.u32 s0, $0xA;
	s2 =	sadd.s32 s3, s2  }
0x8d: {  	s2 =	sadd.s32 s2, s17  }
0x8e: {  	[smem:$0x3FC6] =	sst s2  }
0x8f: {  	_ = 	snop  }
0x90: {  	s2 =	sld [smem:$0x3FC8];
	(tm) =	ssettm $0x1  }
0x91: {  	s18 =	sld [smem:$0x3FFB];
	_ =	sdelay $0x3  }
0x92: {  	_ =	strace s18  }
0x93: {  	s3 =	sld [smem:$0x3FFC];
	_ =	sdelay $0x3  }
0x94: {  	_ =	strace s3  }
0x95: {  	s3 =	sld [smem:$0x3FFD];
	_ =	sdelay $0x3  }
0x96: {  	_ =	strace s3  }
0x97: {  	_ =	strace $0x8FFFFFFF  }
0x98: {  	s19 =	sld [smem:$0x3FDB];
	_ =	sdelay $0x1  }
0x99: {  	s4 =	simm.s32 $_scs_section_size  }
0x9a: {  	s5 =	simm.s32 $_size__tile_overlayer_lowered;
	s6 =	simm.s32 $_tile_overlayer_lowered  }
0x9b: {  	s22 =	simm.s32 $0x1BFF;
	s21 =	sshll.u32 s6, $0x1;
	s3 =	sadd.s32 s4, s19  }
0x9c: {  	s7 =	simm.s32 $0x0;
	s20 =	sshll.u32 s5, $0x1;
	s5 =	sadd.s32 s21, s3  }
0x9d: {  	[timem:s7], [sflag:s22] =	dma.local [hbm:s5], s20  }
0x9e: {  	_ =	swait.ge [sflag:s22], s20  }
0x9f: {  	s4 =	ssub.s32 $0x0, s20;
	[sflag:s22] =	ssyncset.done $0x0  }
0xa0: {  	[sflag:s22] =	ssyncadd.s32 s4;
	_ =	sdelay $0x1  }
0xa1: {  	s23 =	simm.s32 $0x1B8B  }
0xa2: {  	_ =	swait.ge [sflag:s23], $0x1  }
0xa3: {  	[sflag:s23] =	ssyncset.done $0x0  }
0xa4: {  	s25 =	simm.s32 $0x1B8E;
	s24 =	sld [smem:$0x3FFE];
	[sflag:s23] =	ssyncadd.s32 $0xFFFFFFFF  }
0xa5: {  	s26 =	simm.s32 $execute0_lowered;
	[smem:$0x3FD2] =	sst s25  }
0xa6: {  	s5 =	sshll.u32 s26, $0x1;
	_ =	strace $0x80000049;
	[dreg:$0x1] =	wrdreg $0xFFFFFFFF  }
0xa7: {  	s28 =	simm.s32 $_size_execute0_lowered;
	s3 =	sadd.s32 s3, s5;
	[dreg:$0x0] =	wrdreg $0x0  }
0xa8: {  	s5 =	sshll.u32 s28, $0x1;
	[dreg:$0x2] =	wrdreg s3  }
0xa9: {  	[dreg:$0x3] =	wrdreg s5  }
0xaa: {  	[dreg:$0x4] =	wrdreg $0xC0  }
0xab: {  	_ =	task [dreg:s7], $0x5FFFF  }
0xac: {  	[dreg:$0x1] =	wrdreg $0xFFFFFFFF  }
0xad: {  	[dreg:$0x0] =	wrdreg $0x60  }
0xae: {  	[dreg:$0x2] =	wrdreg s2  }
0xaf: {  	[dreg:$0x3] =	wrdreg s24  }
0xb0: {  	[dreg:$0x4] =	wrdreg $0x9  }
0xb1: {  	_ =	task.clear_ibuf [dreg:s7], $0x5FFFF;
	_ =	strace $0x90000049  }
0xb2: {  	s29 =	simm.s32 $0x9;
	_ =	strace $0x8000004B  }
0xb3: {  	_ =	swait.ge [sflag:s29], $0x1  }
0xb4: {  	[sflag:s29] =	ssyncadd.s32 $0xFFFFFFFF  }
0xb5: {  	_ =	strace $0x9000004B  }
0xb6: {  	_ =	sfence  }
0xb7: {  	s30 =	sld [smem:$0x0];
	_ =	sdelay $0x2  }
0xb8: {  	s31 =	sshll.u32 s1, $0xD;
	s1 =	sshrl.u32 s1, $0x2  }
0xb9: {  	s3 =	sand.u32 $0x4000, s31;
	s1 =	sadd.s32 s1, s30  }
0xba: {  	s0 =	sor.u32 s3, s0;
	s1 =	sshll.u32 s1, $0x11  }
0xbb: {  	s0 =	sor.u32 s1, s0  }
0xbc: {  	s0 =	sadd.s32 $0x8F2B, s0  }
0xbd: {  	[sflag:s0] =	ssyncadd.remote.s32 $0x1  }
0xbe: {  	_ =	sfence.sel $0xFFFF  }
0xbf: {  	[dreg:$0x0] =	wrdreg $0xFFFFFFFF;
	(pc) =	sbr.abs _section_cstart, $3  }
0xc0: {  	[dreg:$0x1] =	wrdreg $0xFFFFFFFF  }
0xc1: {  	_ =	task.clear_ibuf [dreg:s7], $0x2FFFF;
	_ =	strace $0x9FFFFFFF  }
0xc2: {  	(tm) =	ssettm $0x7FFFFFFF  }
0xc3: {  	_ =	shalt  }
tec
execute0_lowered:
.L_overlay_start_1:
0x0: {  	(tag) =	ssettag $0x1  }
0x1: {  	s1 =	srdreg.scid;
	s2 =	rddreg [dreg:$0x0]  }
0x2: {  	s0 =	stileid.u32;
	s5 =	rddreg [dreg:$0x1];
	s6 =	simm.s32 $0x1  }
0x3: {  	s9 =	simm.s32 $0x1;
	s10 =	simm.s32 $0x3;
	s1 =	sshll.u32 s1, $0x7  }
0x4: {  	s13 =	simm.s32 $0x0;
	s3 =	sshll.u32 s0, $0x8;
	s4 =	sand.u32 $0x80, s1  }
0x5: {  	s12 =	simm.s32 $0x0;
	s1 =	rddreg [dreg:$0x2];
	s3 =	sor.u32 s3, s4  }
0x6: {  	_ =	strace $0x8000004A;
	s4 =	sadd.s32 $0x3000, s5;
	s8 =	ssub.s32 $0x5E00, s3  }
.Ltmp0:
0x7: {  	s5 =	sadd.s32 $0x3C00, s5;
	s7 =	sand.u32 $0xF80, s8;
	(pc) =	sbr.rel .LBB2_1-.Ltmp0, $4  }
0x8: {  	[sflag:s6] =	ssyncpa.u1 $0x0;
	s11 =	smov.u32 s3;
	p0 =	sne.s32 s7, $0x0  }
0x9: {  	s8 =	sshrl.u32 s8, $0xC;
	s7 =	simm.s32 $0x2;
	s9 =	simm.s32 @!p0 $0x0  }
0xa: {  	[sflag:s7] =	ssyncpa.u1 $0x0;
	p0 =	por $0x0, $0x0;
	s8 =	sadd.s32 s9, s8  }
0xb: {  	vm0 =	vmmov $0xffff;
	v0 =	vlaneseq.u32;
	[sflag:s10] =	ssyncpa.u1 $0x0;
	s10 =	simm.s32 $0x0;
	s9 =	sadd.s32 $0x1, s8  }
.LBB2_4:
0xc: {  	_ =	sdelay $0x3  }
0xd: {  	[tilespmem:s21], [sflag:$0x1] =	stream.indirect_vreg.gather [hbm4b:s2+s10], $0x1, v1, vm0, $0x4038;
	[tilespmem:$0x500] =	vst v63  }
0xe: {  	s15 =	sadd.s32 s17, s15  }
0xf: {  	v1 =	vld.msk [tilespmem:s15+$0x0 ss:$0x1], $0xffff;
	_ =	sdelay $0x4  }
0x10: {  	v2 =	vshrl.u32 v1, $0x2  }
0x11: {  	v3 =	vand.u32 $0x3, v1;
	vm1 =	veq.s32 v1, $0x80000000;
	v1 =	vand.u32 $0x3FFFF, v2  }
0x12: {  	p1 =	sgt.s32 s18, $0x0;
	v2 =	vmul.u32 $0xFFC00, v3;
	v1 =	vsel vm1, $0xFFFFFFFF, v1  }
0x13: {  	s18 =	simm.s32 @!p1 $0x0;
	v3 =	vshll.u32 v1, $0x2  }
0x14: {  	s26 =	smin.u32 s18, $0x10;
	v2 =	vsel vm1, $0xFFF00400, v2;
	v3 =	vand.u32 $0xFFFFFE00, v3  }
0x15: {  	v1 =	vand.u32 $0x7F, v1;
	v2 =	vadd.s32 v2, v3;
	v3 =	vmov s26  }
0x16: {  	v1 =	vor.u32 v1, v2;
	vm1 =	vgt.u32 v3, v0  }
0x17: {  	v2 =	vnsel vm1, $0x7FFFFFFF, v1;
	_ =	sdelay $0x1  }
0x18: {  	v3 =	vor.u32 $0x80, v1  }
0x19: {  	(ifvalue) =	ssetifvalue $0x7FFFFFFF;
	v3 =	vnsel vm1, $0x7FFFFFFF, v3  }
0x1a: {  	s28 =	sadd.s32 s17, s16;
	(ifvalue) =	ssetifvalue $0x7FFFFFFF  }
0x1b: {  	v4 =	vor.u32 $0x100, v1;
	[tilespmem:s28], [sflag:$0x1] =	stream.indirect_vreg.gather [hbm4b:s2+s10], $0x1, v2, vm0, $0x4038;
	[tilespmem:$0x500] =	vst v63  }
0x1c: {  	(ifvalue) =	ssetifvalue $0x7FFFFFFF;
	v2 =	vnsel vm1, $0x7FFFFFFF, v4  }
0x1d: {  	s16 =	sadd.s32 $0x80, s28;
	(ifvalue) =	ssetifvalue $0x7FFFFFFF  }
0x1e: {  	v1 =	vor.u32 $0x180, v1;
	[tilespmem:s16], [sflag:$0x1] =	stream.indirect_vreg.gather [hbm4b:s2+s10], $0x1, v3, vm0, $0x4038;
	[tilespmem:$0x500] =	vst v63  }
0x1f: {  	v1 =	vnsel vm1, $0x7FFFFFFF, v1;
	(ifvalue) =	ssetifvalue $0x7FFFFFFF  }
0x20: {  	s29 =	sadd.s32 $0x100, s28;
	(ifvalue) =	ssetifvalue $0x7FFFFFFF  }
0x21: {  	[tilespmem:s29], [sflag:$0x1] =	stream.indirect_vreg.gather [hbm4b:s2+s10], $0x1, v2, vm0, $0x4038;
	[tilespmem:$0x500] =	vst v63  }
0x22: {  	(ifvalue) =	ssetifvalue $0x7FFFFFFF  }
0x23: {  	s30 =	sshll.u32 s13, $0x2;
	s15 =	sadd.s32 $0x180, s28;
	(ifvalue) =	ssetifvalue $0x7FFFFFFF  }
0x24: {  	[tilespmem:s15], [sflag:$0x1] =	stream.indirect_vreg.gather [hbm4b:s2+s10], $0x1, v1, vm0, $0x4038;
	[tilespmem:$0x500] =	vst v63  }
0x25: {  	s31 =	sand.u32 $0x78, s13;
	s15 =	sand.u32 $0xFFFFFE00, s30  }
0x26: {  	_ =	swait.ge [sflag:s6], $0x200;
	s13 =	sor.u32 s31, s15  }
0x27: {  	[sflag:s6] =	ssyncset.done $0x0;
	s13 =	sshrl.u32 s13, $0x3  }
0x28: {  	[sflag:s6] =	ssyncadd.s32 $0xFFFFFE00;
	s13 =	sadd.s32 s5, s13  }
0x29: {  	[hbm:s13] =	stream.linear.scatter [tilespmem:s14], [sflag:$0x3], $0x200, $0x38;
	[tilespmem:$0x500] =	vst v63  }
.LBB2_5:
0x2a: {  	s15 =	sadd.s32 $0x1000, s11  }
0x2b: {  	p2 =	sgt.s32 s15, $0x5DFF  }
0x2c: {  	s15 =	smov.u32 @p2 s3;
	p2 =	sne.s32 s12, s9  }
.Ltmp1:
0x2d: {  	p1 =	slt.u32 s12, $0x2;
	(pc) =	sbr.rel @!p2 .LBB2_6-.Ltmp1, $4  }
0x2e: {  	s14 =	simm.s32 @!p1 $0x3  }
0x2f: {  	s16 =	sadd.s32 $0x1, s12;
	_ =	swait.ge @!p1 [sflag:s14], $0x200  }
0x30: {  	s13 =	smov.u32 s11;
	p0 =	por !p0, !p0;
	[sflag:s14] =	ssyncset.done @!p1 $0x0  }
0x31: {  	s12 =	smov.u32 s16;
	s11 =	smov.u32 s15;
	[sflag:s14] =	ssyncadd.s32 @!p1 $0xFFFFFE00  }
.LBB2_1:
0x32: {  	p1 =	sge.u32 s12, s8  }
0x33: {  	s14 =	sxor.u32 @!p1 $0xFFFFFFFF, s12  }
0x34: {  	s31 =	sadd.s32 $0xFFFFFFFF, s12;
	s15 =	sshrl.u32 @!p1 s11, $0x3;
	s14 =	sshll.u32 @!p1 s14, $0x7  }
0x35: {  	s16 =	sand.u32 @!p1 $0x7, s11;
	s15 =	sadd.s32 @!p1 s4, s15;
	s14 =	sand.u32 @!p1 $0x80, s14  }
0x36: {  	[tilespmem:s14], [sflag:$0x2] =	stream.linear.gather @!p1 [hbm4b:s15+s16], $0x80, $0x38;
	[tilespmem:$0x500] =	vst v63  }
0x37: {  	p1 =	sge.u32 s31, s8  }
.Ltmp2:
0x38: {  	_ = 	snop;
	(pc) =	sbr.rel @p1 .LBB2_5-.Ltmp2, $1  }
0x39: {  	_ =	sdelay $0x3  }
0x3a: {  	s14 =	simm.s32 $0x1  }
0x3b: {  	_ =	swait.ge [sflag:s7], $0x80;
	s14 =	simm.s32 @!p0 $0x0  }
0x3c: {  	[sflag:s7] =	ssyncset.done $0x0;
	s15 =	sshll.u32 s14, $0x7  }
0x3d: {  	[sflag:s7] =	ssyncadd.s32 $0xFFFFFF80;
	s16 =	sadd.s32 $0x0, s15  }
0x3e: {  	v1 =	vld.msk [tilespmem:s16+$0x0 ss:$0x1], $0xffff;
	_ =	sdelay $0x3  }
0x3f: {  	s18 =	ssub.s32 $0x5DC0, s13  }
0x40: {  	p1 =	slt.s32 s18, $0x80;
	v2 =	vshrl.u32 v1, $0x2  }
0x41: {  	s18 =	simm.s32 @!p1 $0x80;
	v3 =	vand.u32 $0x3, v1;
	vm1 =	veq.s32 v1, $0x80000000;
	v1 =	vand.u32 $0x3FFFF, v2  }
0x42: {  	p1 =	sgt.s32 s18, $0x0;
	s16 =	smov.u32 s18;
	v2 =	vmul.u32 $0xFFC00, v3;
	v1 =	vsel vm1, $0xFFFFFFFF, v1  }
0x43: {  	s16 =	simm.s32 @!p1 $0x0;
	v3 =	vshll.u32 v1, $0x2  }
0x44: {  	s16 =	smin.u32 s16, $0x10;
	v2 =	vsel vm1, $0xFFF00400, v2;
	v3 =	vand.u32 $0xFFFFFE00, v3  }
0x45: {  	v1 =	vand.u32 $0x7F, v1;
	v2 =	vadd.s32 v2, v3;
	v3 =	vmov s16  }
0x46: {  	v1 =	vor.u32 v1, v2;
	vm1 =	vgt.u32 v3, v0  }
0x47: {  	v2 =	vnsel vm1, $0x7FFFFFFF, v1;
	_ =	sdelay $0x1  }
0x48: {  	s14 =	sshll.u32 s14, $0x9;
	v3 =	vor.u32 $0x80, v1  }
0x49: {  	(ifvalue) =	ssetifvalue $0x7FFFFFFF;
	s16 =	sor.u32 $0x100, s14;
	v3 =	vnsel vm1, $0x7FFFFFFF, v3  }
0x4a: {  	(ifvalue) =	ssetifvalue $0x7FFFFFFF;
	s19 =	sadd.s32 $0x0, s16  }
0x4b: {  	v4 =	vor.u32 $0x100, v1;
	[tilespmem:s19], [sflag:$0x1] =	stream.indirect_vreg.gather [hbm4b:s2+s10], $0x1, v2, vm0, $0x4038;
	[tilespmem:$0x500] =	vst v63  }
0x4c: {  	(ifvalue) =	ssetifvalue $0x7FFFFFFF;
	v2 =	vnsel vm1, $0x7FFFFFFF, v4  }
0x4d: {  	s17 =	sadd.s32 $0x80, s19;
	(ifvalue) =	ssetifvalue $0x7FFFFFFF  }
0x4e: {  	v1 =	vor.u32 $0x180, v1;
	[tilespmem:s17], [sflag:$0x1] =	stream.indirect_vreg.gather [hbm4b:s2+s10], $0x1, v3, vm0, $0x4038;
	[tilespmem:$0x500] =	vst v63  }
0x4f: {  	s30 =	sshll.u32 s12, $0x9;
	s20 =	simm.s32 $0x80;
	v1 =	vnsel vm1, $0x7FFFFFFF, v1;
	(ifvalue) =	ssetifvalue $0x7FFFFFFF  }
0x50: {  	s14 =	sand.u32 $0x200, s30;
	s31 =	sadd.s32 $0x100, s19;
	(ifvalue) =	ssetifvalue $0x7FFFFFFF  }
0x51: {  	[tilespmem:s31], [sflag:$0x1] =	stream.indirect_vreg.gather [hbm4b:s2+s10], $0x1, v2, vm0, $0x4038;
	[tilespmem:$0x500] =	vst v63  }
0x52: {  	s18 =	sadd.s32 $0xFFFFFFF0, s18;
	s14 =	sor.u32 $0x100, s14;
	(ifvalue) =	ssetifvalue $0x7FFFFFFF  }
0x53: {  	s21 =	sadd.s32 $0x180, s19;
	s17 =	simm.s32 $0x10;
	(ifvalue) =	ssetifvalue $0x7FFFFFFF  }
.LBB2_3:
0x54: {  	[tilespmem:s21], [sflag:$0x1] =	stream.indirect_vreg.gather [hbm4b:s2+s10], $0x1, v1, vm0, $0x4038;
	[tilespmem:$0x500] =	vst v63  }
0x55: {  	s19 =	smov.u32 s20  }
0x56: {  	s22 =	sadd.s32 s17, s15;
	s21 =	sshra.s32 s19, $0x2;
	s19 =	sadd.s32 $0x40, s20  }
0x57: {  	p1 =	sne.s32 s20, $0x1C0;
	v1 =	vld.msk [tilespmem:s22+$0x0 ss:$0x1], $0xffff  }
0x58: {  	(ifvalue) =	ssetifvalue $0x7FFFFFFF;
	_ =	sdelay $0x4  }
0x59: {  	v2 =	vand.u32 $0x3, v1;
	v3 =	vshrl.u32 v1, $0x2  }
0x5a: {  	vm1 =	veq.s32 v1, $0x80000000;
	v1 =	vand.u32 $0x3FFFF, v3;
	v2 =	vmul.u32 $0xFFC00, v2  }
0x5b: {  	p2 =	sgt.s32 s18, $0x0;
	s20 =	smov.u32 s18;
	v1 =	vsel vm1, $0xFFFFFFFF, v1  }
0x5c: {  	s20 =	simm.s32 @!p2 $0x0;
	v2 =	vsel vm1, $0xFFF00400, v2;
	v3 =	vshll.u32 v1, $0x2  }
0x5d: {  	s20 =	smin.u32 s20, $0x10;
	v3 =	vand.u32 $0xFFFFFE00, v3  }
0x5e: {  	v1 =	vand.u32 $0x7F, v1;
	v2 =	vadd.s32 v2, v3;
	v3 =	vmov s20  }
0x5f: {  	v1 =	vor.u32 v1, v2;
	vm1 =	vgt.u32 v3, v0  }
0x60: {  	v2 =	vnsel vm1, $0x7FFFFFFF, v1;
	v3 =	vor.u32 $0x80, v1;
	v4 =	vor.u32 $0x100, v1  }
0x61: {  	v1 =	vor.u32 $0x180, v1;
	_ =	sdelay $0x1  }
0x62: {  	v3 =	vnsel vm1, $0x7FFFFFFF, v3  }
0x63: {  	s20 =	sadd.s32 s17, s16;
	s17 =	smov.u32 s21;
	(ifvalue) =	ssetifvalue $0x7FFFFFFF  }
0x64: {  	[tilespmem:s20], [sflag:$0x1] =	stream.indirect_vreg.gather [hbm4b:s2+s10], $0x1, v2, vm0, $0x4038;
	[tilespmem:$0x500] =	vst v63  }
0x65: {  	v2 =	vnsel vm1, $0x7FFFFFFF, v4;
	(ifvalue) =	ssetifvalue $0x7FFFFFFF  }
0x66: {  	s21 =	sadd.s32 $0x80, s20;
	(ifvalue) =	ssetifvalue $0x7FFFFFFF  }
0x67: {  	[tilespmem:s21], [sflag:$0x1] =	stream.indirect_vreg.gather [hbm4b:s2+s10], $0x1, v3, vm0, $0x4038;
	[tilespmem:$0x500] =	vst v63  }
.Ltmp3:
0x68: {  	v1 =	vnsel vm1, $0x7FFFFFFF, v1;
	(ifvalue) =	ssetifvalue $0x7FFFFFFF;
	(pc) =	sbr.rel @p1 .LBB2_3-.Ltmp3, $4  }
0x69: {  	s21 =	sadd.s32 $0x100, s20;
	(ifvalue) =	ssetifvalue $0x7FFFFFFF  }
0x6a: {  	[tilespmem:s21], [sflag:$0x1] =	stream.indirect_vreg.gather [hbm4b:s2+s10], $0x1, v2, vm0, $0x4038;
	[tilespmem:$0x500] =	vst v63  }
0x6b: {  	s18 =	sadd.s32 $0xFFFFFFF0, s18;
	(ifvalue) =	ssetifvalue $0x7FFFFFFF  }
0x6c: {  	s21 =	sadd.s32 $0x180, s20;
	s20 =	smov.u32 s19;
	(ifvalue) =	ssetifvalue $0x7FFFFFFF  }
.Ltmp4:
0x6d: {  	_ = 	snop;
	(pc) =	sbr.rel .LBB2_4-.Ltmp4, $1  }
0x6e: {  	_ =	sdelay $0x3  }
.LBB2_6:
0x6f: {  	_ =	sfence.sel $0x180000  }
0x70: {  	s2 =	simm.s32 $0x2;
	[bflag:$0x0] =	sbarrier.arrive $0xFFFF  }
0x71: {  	s30 =	simm.s32 $0x3;
	[sflag:s2] =	ssyncpa.u1 $0x1  }
0x72: {  	s31 =	simm.s32 $0x1;
	[sflag:s30] =	ssyncpa.u1 $0x1  }
0x73: {  	[sflag:s31] =	ssyncpa.u1 $0x1  }
0x74: {  	p0 =	sne.s32 s0, $0x0;
	_ =	strace $0x9000004A  }
0x75: {  	s0 =	sadd.s32 @!p0 $0x100000, s1;
	[bflag:$0x2] =	sbarrier.arrive $0xFFFF  }
0x76: {  	[sflag:s0] =	ssyncadd.tile.s32 @!p0 $0x1;
	_ =	shalt  }
.Lfunc_end2:
_tile_overlayer_lowered:
.L_overlay_start_2:
0x77: {  	(tag) =	ssettag $0x2  }
0x78: {  	s0 =	rddreg [dreg:$0x0];
	s2 =	stileid.u32  }
0x79: {  	s1 =	rddreg [dreg:$0x1];
	p0 =	sne.s32 s2, $0x0  }
0x7a: {  	s3 =	rddreg [dreg:$0x2];
	[bflag:$0x3] =	sbarrier.arrive $0xFFFF;
	s2 =	simm.s32 @!p0 $0x1C01  }
0x7b: {  	[timem:s3], [sflag:s2] =	dma.local @!p0 [hbm:s0], s1  }
0x7c: {  	s0 =	simm.s32 @!p0 $0x1  }
0x7d: {  	_ =	swait.ge @!p0 [sflag:s0], s1  }
0x7e: {  	s1 =	ssub.s32 @!p0 $0x0, s1;
	[sflag:s0] =	ssyncset.done @!p0 $0x0  }
0x7f: {  	[sflag:s0] =	ssyncadd.s32 @!p0 s1  }
0x80: {  	[bflag:$0x3] =	sbarrier.arrive $0xFFFF  }
0x81: {  	_ =	shalt  }

// kernel: gather_offload_async_start
scs
__scs_entry_jumppad:
0x0: {  	(pc) =	sbr.rel $0x88, $3  }
0x1: {  	(tag) =	ssettag $0x0;
	lr =	simm.s32 $0x1  }
0x2: {  	[smem:$0x3F9F] =	sst lr;
	_ =	strace $0xD0000000  }
0x3: {  	_ = 	snop  }
0x4: {  	_ = 	snop  }
0x5: {  	_ = 	snop  }
0x6: {  	_ = 	snop  }
0x7: {  	_ = 	snop  }
__scs_overlays_trampoline_lowered:
0x8: {  	[smem:$0x3FAE] =	sst s0  }
0x9: {  	[smem:$0x3FAF] =	sst s1  }
0xa: {  	[smem:$0x3FB0] =	sst s2  }
0xb: {  	[smem:$0x3FB1] =	sst s3  }
0xc: {  	[smem:$0x3FB2] =	sst s4  }
0xd: {  	[smem:$0x3FB3] =	sst s5  }
0xe: {  	[smem:$0x3FB4] =	sst s6  }
0xf: {  	[smem:$0x3FB5] =	sst s7  }
0x10: {  	[smem:$0x3FB6] =	sst s8  }
0x11: {  	[smem:$0x3FB7] =	sst s9;
	s0 =	simm.s32 @!p0 $0x0  }
0x12: {  	s1 =	sld [smem:$0x3F9D];
	s0 =	simm.s32 @p0 $0x1  }
0x13: {  	[smem:$0x3FB8] =	sst s0;
	s0 =	simm.s32 @!p1 $0x0  }
0x14: {  	s2 =	sld [smem:$0x3F9C];
	s0 =	simm.s32 @p1 $0x1  }
0x15: {  	[smem:$0x3FB9] =	sst s0;
	s0 =	simm.s32 @!p2 $0x0  }
0x16: {  	s3 =	sld [smem:$0x3FDB];
	s0 =	simm.s32 @p2 $0x1  }
0x17: {  	s4 =	simm.s32 $0x1BF5;
	[smem:$0x3FBB] =	sst s0  }
0x18: {  	s0 =	sld [smem:$0x3F9E];
	_ =	swait.ge [sflag:s4], $0x0  }
0x19: {  	s7 =	sld [smem:$0x3F9F]  }
0x1a: {  	s8 =	sadd.s32 $0xFFFFE003, lr  }
0x1b: {  	s9 =	sadd.s32 $0xFFFFFEF7, lr;
	s5 =	simm.s32 $0xFFFFFFFF;
	p2 =	slt.u32 s8, $0xFFFFF086  }
0x1c: {  	p1 =	slt.u32 s9, $0xF7A;
	s5 =	simm.s32 @!p2 $0x0  }
0x1d: {  	s5 =	simm.s32 @p1 $0x1;
	p0 =	seq.s32 s7, s2  }
0x1e: {  	s7 =	smul.u32 @!p0 $0xF7A, s2;
	p2 =	seq.s32 @!p0 s5, $0x0  }
0x1f: {  	s9 =	smul.u32 $0xF7A, s1;
	s8 =	simm.s32 @!p0 $0x1BF5;
	p2 =	por !p2, p0  }
0x20: {  	[sflag:s8] =	ssyncset.s32 @!p0 $0xFFFFF086;
	s6 =	sadd.s32 @!p0 s3, s7;
	s7 =	simm.s32 @!p0 $0x108  }
0x21: {  	s3 =	sadd.s32 s3, s9;
	s6 =	sadd.s32 @!p0 $0x88, s6;
	s7 =	simm.s32 @p2 $0x1082  }
0x22: {  	[simem:s7], [sflag:s8] =	dma.local @!p0 [hbm:s6], $0xF7A  }
0x23: {  	s9 =	sor.u32 $0xD0000000, s2;
	s6 =	simm.s32 $0x108;
	_ =	swait.ge @!p0 [sflag:s8], $0x0  }
0x24: {  	s3 =	sadd.s32 $0x88, s3;
	s6 =	simm.s32 @!p1 $0x1082;
	[sflag:s4] =	ssyncset.s32 $0xFFFFF086  }
0x25: {  	[simem:s6], [sflag:s4] =	dma.local [hbm:s3], $0xF7A  }
0x26: {  	[smem:$0x3F9F] =	sst s1;
	(tag) =	ssettag s2;
	_ =	strace s9  }
0x27: {  	s1 =	sld [smem:$0x3FAF]  }
0x28: {  	s2 =	sld [smem:$0x3FB0]  }
0x29: {  	s4 =	sld [smem:$0x3FB2]  }
0x2a: {  	p0 =	seq.s32 s5, $0x0;
	s5 =	sld [smem:$0x3FB3]  }
0x2b: {  	s6 =	sld [smem:$0x3FB4]  }
0x2c: {  	s7 =	sld [smem:$0x3FB5]  }
0x2d: {  	s3 =	simm.s32 $0x108;
	s8 =	sld [smem:$0x3FB6]  }
0x2e: {  	s3 =	simm.s32 @!p0 $0x1082;
	s9 =	sld [smem:$0x3FB7]  }
0x2f: {  	lr =	sadd.s32 s0, s3;
	s0 =	sld [smem:$0x3FAE]  }
0x30: {  	s3 =	sld [smem:$0x3FB1]  }
0x31: {  	[smem:$0x3FBA] =	sst s10  }
0x32: {  	s10 =	sld [smem:$0x3FB8];
	_ =	sdelay $0x3  }
0x33: {  	p0 =	seq.s32 s10, $0x1;
	s10 =	sld [smem:$0x3FBA];
	_ =	sdelay $0x3  }
0x34: {  	[smem:$0x3FBA] =	sst s10  }
0x35: {  	s10 =	sld [smem:$0x3FB9];
	_ =	sdelay $0x3  }
0x36: {  	p1 =	seq.s32 s10, $0x1;
	s10 =	sld [smem:$0x3FBA];
	_ =	sdelay $0x3  }
0x37: {  	[smem:$0x3FBA] =	sst s10  }
0x38: {  	s10 =	sld [smem:$0x3FBB]  }
0x39: {  	_ = 	snop;
	(pc) =	sbr.ind lr, $3  }
0x3a: {  	_ = 	snop  }
0x3b: {  	_ = 	snop  }
0x3c: {  	p2 =	seq.s32 s10, $0x1;
	s10 =	sld [smem:$0x3FBA]  }
0x3d: {  	_ =	shalt  }
0x3e: {  	_ =	shalt  }
0x3f: {  	_ =	shalt  }
0x40: {  	_ =	shalt  }
0x41: {  	_ =	shalt  }
0x42: {  	_ =	shalt  }
0x43: {  	_ =	shalt  }
0x44: {  	_ =	shalt  }
0x45: {  	_ =	shalt  }
0x46: {  	_ =	shalt  }
0x47: {  	_ =	shalt  }
0x48: {  	_ =	shalt  }
0x49: {  	_ =	shalt  }
0x4a: {  	_ =	shalt  }
0x4b: {  	_ =	shalt  }
0x4c: {  	_ =	shalt  }
0x4d: {  	_ =	shalt  }
0x4e: {  	_ =	shalt  }
0x4f: {  	_ =	shalt  }
0x50: {  	_ =	shalt  }
0x51: {  	_ =	shalt  }
0x52: {  	_ =	shalt  }
0x53: {  	_ =	shalt  }
0x54: {  	_ =	shalt  }
0x55: {  	_ =	shalt  }
0x56: {  	_ =	shalt  }
0x57: {  	_ =	shalt  }
0x58: {  	_ =	shalt  }
0x59: {  	_ =	shalt  }
0x5a: {  	_ =	shalt  }
0x5b: {  	_ =	shalt  }
0x5c: {  	_ =	shalt  }
0x5d: {  	_ =	shalt  }
0x5e: {  	_ =	shalt  }
0x5f: {  	_ =	shalt  }
0x60: {  	_ =	shalt  }
0x61: {  	_ =	shalt  }
0x62: {  	_ =	shalt  }
0x63: {  	_ =	shalt  }
0x64: {  	_ =	shalt  }
0x65: {  	_ =	shalt  }
0x66: {  	_ =	shalt  }
0x67: {  	_ =	shalt  }
0x68: {  	_ =	shalt  }
0x69: {  	_ =	shalt  }
0x6a: {  	_ =	shalt  }
0x6b: {  	_ =	shalt  }
0x6c: {  	_ =	shalt  }
0x6d: {  	_ =	shalt  }
0x6e: {  	_ =	shalt  }
0x6f: {  	_ =	shalt  }
0x70: {  	_ =	shalt  }
0x71: {  	_ =	shalt  }
0x72: {  	_ =	shalt  }
0x73: {  	_ =	shalt  }
0x74: {  	_ =	shalt  }
0x75: {  	_ =	shalt  }
0x76: {  	_ =	shalt  }
0x77: {  	_ =	shalt  }
0x78: {  	_ =	shalt  }
0x79: {  	_ =	shalt  }
0x7a: {  	_ =	shalt  }
0x7b: {  	_ =	shalt  }
0x7c: {  	_ =	shalt  }
0x7d: {  	_ =	shalt  }
0x7e: {  	_ =	shalt  }
0x7f: {  	_ =	shalt  }
0x80: {  	_ =	shalt  }
0x81: {  	_ =	shalt  }
0x82: {  	_ =	shalt  }
0x83: {  	_ =	shalt  }
0x84: {  	_ =	shalt  }
0x85: {  	_ =	shalt  }
0x86: {  	_ =	shalt  }
0x87: {  	_ =	shalt  }
.Lfunc_end0:
.L_simem_size_0:
called_computation_lowered:
.L_overlay_start_0:
0x88: {  	s2 =	sld [smem:$0x3FD9]  }
0x89: {  	s3 =	sld [smem:$0x3FFE];
	_ =	sdelay $0x1  }
0x8a: {  	s1 =	srdreg.scid  }
0x8b: {  	s0 =	sand.u32 $0x1, s1  }
0x8c: {  	s16 =	sshll.u32 s0, $0xA;
	s2 =	sadd.s32 s3, s2  }
0x8d: {  	s2 =	sadd.s32 s2, s16  }
0x8e: {  	[smem:$0x3FC6] =	sst s2  }
0x8f: {  	_ = 	snop  }
0x90: {  	(tm) =	ssettm $0x1  }
0x91: {  	s17 =	sld [smem:$0x3FFB];
	_ =	sdelay $0x3  }
0x92: {  	_ =	strace s17  }
0x93: {  	s2 =	sld [smem:$0x3FFC];
	_ =	sdelay $0x3  }
0x94: {  	_ =	strace s2  }
0x95: {  	s2 =	sld [smem:$0x3FFD];
	_ =	sdelay $0x3  }
0x96: {  	_ =	strace s2  }
0x97: {  	_ =	strace $0x8FFFFFFF  }
0x98: {  	s18 =	sld [smem:$0x3FDB];
	_ =	sdelay $0x1  }
0x99: {  	s19 =	simm.s32 $_scs_section_size  }
0x9a: {  	s4 =	simm.s32 $_size__tile_overlayer_lowered;
	s5 =	simm.s32 $_tile_overlayer_lowered  }
0x9b: {  	s22 =	simm.s32 $0x1BFF;
	s21 =	sshll.u32 s5, $0x1;
	s2 =	sadd.s32 s19, s18  }
0x9c: {  	s6 =	simm.s32 $0x0;
	s20 =	sshll.u32 s4, $0x1;
	s4 =	sadd.s32 s21, s2  }
0x9d: {  	[timem:s6], [sflag:s22] =	dma.local [hbm:s4], s20  }
0x9e: {  	_ =	swait.ge [sflag:s22], s20  }
0x9f: {  	s3 =	ssub.s32 $0x0, s20;
	[sflag:s22] =	ssyncset.done $0x0  }
0xa0: {  	[sflag:s22] =	ssyncadd.s32 s3;
	_ =	sdelay $0x1  }
0xa1: {  	s23 =	simm.s32 $0x1B8B  }
0xa2: {  	_ =	swait.ge [sflag:s23], $0x1  }
0xa3: {  	[sflag:s23] =	ssyncset.done $0x0  }
0xa4: {  	s25 =	simm.s32 $0x1B8E;
	s24 =	sld [smem:$0x3FFE];
	[sflag:s23] =	ssyncadd.s32 $0xFFFFFFFF  }
0xa5: {  	s26 =	simm.s32 $execute0_lowered;
	[smem:$0x3FD2] =	sst s25  }
0xa6: {  	s4 =	sshll.u32 s26, $0x1;
	_ =	strace $0x80000046;
	[dreg:$0x1] =	wrdreg $0xFFFFFFFF  }
0xa7: {  	s28 =	simm.s32 $_size_execute0_lowered;
	s2 =	sadd.s32 s2, s4;
	[dreg:$0x0] =	wrdreg $0x0  }
0xa8: {  	s4 =	sshll.u32 s28, $0x1;
	[dreg:$0x2] =	wrdreg s2  }
0xa9: {  	[dreg:$0x3] =	wrdreg s4  }
0xaa: {  	[dreg:$0x4] =	wrdreg $0xC0  }
0xab: {  	_ =	task [dreg:s6], $0x5FFFF  }
0xac: {  	[dreg:$0x1] =	wrdreg $0xFFFFFFFF  }
0xad: {  	[dreg:$0x0] =	wrdreg $0x60  }
0xae: {  	[dreg:$0x2] =	wrdreg s24  }
0xaf: {  	[dreg:$0x3] =	wrdreg $0x9  }
0xb0: {  	_ =	task.clear_ibuf [dreg:s6], $0x4FFFF;
	_ =	strace $0x90000046  }
0xb1: {  	s29 =	simm.s32 $0x9;
	_ =	strace $0x80000048  }
0xb2: {  	_ =	swait.ge [sflag:s29], $0x1  }
0xb3: {  	[sflag:s29] =	ssyncadd.s32 $0xFFFFFFFF  }
0xb4: {  	_ =	strace $0x90000048  }
0xb5: {  	_ =	sfence  }
0xb6: {  	s30 =	sld [smem:$0x0];
	_ =	sdelay $0x2  }
0xb7: {  	s31 =	sshll.u32 s1, $0xD;
	s1 =	sshrl.u32 s1, $0x2  }
0xb8: {  	s3 =	sand.u32 $0x4000, s31;
	s1 =	sadd.s32 s1, s30  }
0xb9: {  	s0 =	sor.u32 s3, s0;
	s1 =	sshll.u32 s1, $0x11  }
0xba: {  	s0 =	sor.u32 s1, s0  }
0xbb: {  	s0 =	sadd.s32 $0x8F2B, s0  }
0xbc: {  	[sflag:s0] =	ssyncadd.remote.s32 $0x1  }
0xbd: {  	_ =	sfence.sel $0xFFFF  }
0xbe: {  	[dreg:$0x0] =	wrdreg $0xFFFFFFFF;
	(pc) =	sbr.abs _section_cstart, $3  }
0xbf: {  	[dreg:$0x1] =	wrdreg $0xFFFFFFFF  }
0xc0: {  	_ =	task.clear_ibuf [dreg:s6], $0x2FFFF;
	_ =	strace $0x9FFFFFFF  }
0xc1: {  	(tm) =	ssettm $0x7FFFFFFF  }
tec
execute0_lowered:
.L_overlay_start_1:
0x0: {  	(tag) =	ssettag $0x1  }
0x1: {  	s8 =	rddreg [dreg:$0x0]  }
0x2: {  	s0 =	rddreg [dreg:$0x1];
	_ =	strace $0x80000047;
	s1 =	stileid.u32  }
0x3: {  	s3 =	srdreg.scid;
	s4 =	simm.s32 $0x1;
	s7 =	simm.s32 $0x1  }
0x4: {  	s9 =	simm.s32 $0x1;
	s10 =	simm.s32 $0x3;
	s13 =	simm.s32 $0x0  }
0x5: {  	s12 =	simm.s32 $0x0;
	s5 =	sand.u32 $0x1, s3;
	s6 =	sshll.u32 s1, $0x1  }
0x6: {  	s2 =	sadd.s32 $0x3C00, s8;
	s3 =	sadd.s32 $0x3000, s8;
	s5 =	sor.u32 s6, s5  }
.Ltmp0:
0x7: {  	[sflag:s4] =	ssyncpa.u1 $0x0;
	p0 =	slt.u32 s5, $0x13;
	(pc) =	sbr.rel .LBB2_1-.Ltmp0, $4  }
0x8: {  	s6 =	simm.s32 $0x2;
	s7 =	simm.s32 @!p0 $0x0;
	p0 =	sne.s32 s5, $0x12  }
0x9: {  	[sflag:s6] =	ssyncpa.u1 $0x0;
	s5 =	smul.u32 $0x1E0, s5;
	s9 =	simm.s32 @!p0 $0x0  }
0xa: {  	s8 =	sadd.s32 $0x6C00, s8;
	[sflag:s10] =	ssyncpa.u1 $0x0;
	s7 =	sadd.s32 s9, s7  }
0xb: {  	vm0 =	vmmov $0xffff;
	s10 =	simm.s32 $0x0;
	s11 =	smov.u32 s5;
	s9 =	sadd.s32 $0x1, s7  }
.LBB2_4:
0xc: {  	vm1 =	veq.s32 v4, $0x80000000;
	v56 =	vand.u32 $0x3, v4;
	v6 =	vand.u32 $0x7FFF, v6  }
0xd: {  	v2 =	vor.u32 v2, v5;
	v59 =	vshrl.u32 v1, $0x2;
	v60 =	vand.u32 $0x3, v1  }
0xe: {  	v4 =	vsel vm1, $0xFFFFFFFF, v56;
	v6 =	vsel vm1, $0xFFFFFFFF, v6;
	v2 =	vor.u32 v3, v2  }
0xf: {  	vm1 =	veq.s32 v1, $0x80000000;
	v5 =	vand.u32 $0x7FFF, v59;
	v7 =	vshrl.u32 v4, $0x2  }
0x10: {  	v57 =	vshll.u32 v6, $0x2;
	v4 =	vshll.u32 v4, $0x7;
	v1 =	vsel vm1, $0xFFFFFFFF, v60  }
0x11: {  	v5 =	vsel vm1, $0xFFFFFFFF, v5;
	v6 =	vand.u32 $0x7F, v6;
	v7 =	vmul.u32 $0x17800, v7  }
0x12: {  	v58 =	vand.u32 $0xFFFFFE00, v57;
	v4 =	vand.u32 $0x180, v4;
	v61 =	vshrl.u32 v1, $0x2  }
0x13: {  	v62 =	vshll.u32 v5, $0x2;
	v3 =	vadd.s32 v7, v58;
	v7 =	vmul.u32 $0x17800, v61  }
0x14: {  	v1 =	vshll.u32 v1, $0x7;
	v3 =	vor.u32 v4, v3;
	v4 =	vand.u32 $0xFFFFFE00, v62  }
0x15: {  	v1 =	vand.u32 $0x180, v1;
	v3 =	vor.u32 v6, v3;
	v4 =	vadd.s32 v7, v4  }
0x16: {  	[tilespmem:s16], [sflag:$0x1] =	stream.indirect_vreg.gather [hbm4b:s2+s10], $0x1, v0, vm0, $0x4038;
	v63 =	vand.u32 $0x7F, v5;
	v1 =	vor.u32 v1, v4;
	[tilespmem:$0x780] =	vst v63  }
0x17: {  	s15 =	sadd.s32 $0x10, s15;
	(ifvalue) =	ssetifvalue $0x7FFFFFFF;
	v0 =	vor.u32 v63, v1  }
0x18: {  	[tilespmem:s15], [sflag:$0x1] =	stream.indirect_vreg.gather [hbm4b:s2+s10], $0x1, v2, vm0, $0x4038;
	[tilespmem:$0x780] =	vst v63  }
0x19: {  	s15 =	sadd.s32 $0x10, s15;
	(ifvalue) =	ssetifvalue $0x7FFFFFFF  }
0x1a: {  	[tilespmem:s15], [sflag:$0x1] =	stream.indirect_vreg.gather [hbm4b:s2+s10], $0x1, v3, vm0, $0x4038;
	[tilespmem:$0x780] =	vst v63  }
0x1b: {  	s15 =	sadd.s32 $0x10, s15;
	(ifvalue) =	ssetifvalue $0x7FFFFFFF  }
0x1c: {  	[tilespmem:s15], [sflag:$0x1] =	stream.indirect_vreg.gather [hbm4b:s2+s10], $0x1, v0, vm0, $0x4038;
	[tilespmem:$0x780] =	vst v63  }
0x1d: {  	_ =	swait.ge [sflag:s4], $0x1E0  }
0x1e: {  	s30 =	sshrl.u32 s13, $0x3;
	[sflag:s4] =	ssyncset.done $0x0  }
0x1f: {  	s31 =	sand.u32 $0x7, s13;
	s15 =	sadd.s32 s8, s30;
	[sflag:s4] =	ssyncadd.s32 $0xFFFFFE20  }
0x20: {  	[hbm4b:s15+s31] =	stream.linear.scatter [tilespmem:s14], [sflag:$0x3], $0x1E0, $0x38;
	[tilespmem:$0x780] =	vst v63  }
.LBB2_5:
0x21: {  	s15 =	sadd.s32 $0x3C00, s11  }
0x22: {  	p1 =	sgt.s32 s15, $0x5DBF  }
0x23: {  	s15 =	smov.u32 @p1 s5;
	p1 =	sne.s32 s12, s9  }
.Ltmp1:
0x24: {  	p0 =	slt.u32 s12, $0x2;
	(pc) =	sbr.rel @!p1 .LBB2_6-.Ltmp1, $4  }
0x25: {  	s14 =	simm.s32 @!p0 $0x3  }
0x26: {  	_ =	swait.ge @!p0 [sflag:s14], $0x1E0  }
0x27: {  	s16 =	sadd.s32 $0x1, s12;
	s13 =	smov.u32 s11;
	[sflag:s14] =	ssyncset.done @!p0 $0x0  }
0x28: {  	s12 =	smov.u32 s16;
	s11 =	smov.u32 s15;
	[sflag:s14] =	ssyncadd.s32 @!p0 $0xFFFFFE20  }
.LBB2_1:
0x29: {  	p0 =	sge.u32 s12, s7  }
0x2a: {  	s14 =	sxor.u32 @!p0 $0x1, s12  }
0x2b: {  	s14 =	smul.u32 @!p0 $0x780, s14  }
0x2c: {  	s31 =	sadd.s32 $0xFFFFFFFF, s12;
	s15 =	sshrl.u32 @!p0 s11, $0x3  }
0x2d: {  	s16 =	sand.u32 @!p0 $0x7, s11;
	s15 =	sadd.s32 @!p0 s3, s15;
	s14 =	sshra.s32 @!p0 s14, $0x2  }
0x2e: {  	[tilespmem:s14], [sflag:$0x2] =	stream.linear.gather @!p0 [hbm4b:s15+s16], $0x1E0, $0x38;
	[tilespmem:$0x780] =	vst v63  }
0x2f: {  	p0 =	sge.u32 s31, s7  }
.Ltmp2:
0x30: {  	_ = 	snop;
	(pc) =	sbr.rel @p0 .LBB2_5-.Ltmp2, $1  }
0x31: {  	_ =	sdelay $0x3  }
0x32: {  	s14 =	sand.u32 $0x1, s12  }
0x33: {  	_ =	swait.ge [sflag:s6], $0x1E0;
	p0 =	seq.s32 s14, $0x1;
	s14 =	simm.s32 $0x1E0  }
0x34: {  	[sflag:s6] =	ssyncset.done $0x0;
	s14 =	simm.s32 @!p0 $0x0  }
0x35: {  	[sflag:s6] =	ssyncadd.s32 $0xFFFFFE20;
	(ifvalue) =	ssetifvalue $0x7FFFFFFF;
	v0 =	vld.msk [tilespmem:s14+$0x0 ss:$0x1], $0xffff  }
0x36: {  	s15 =	sadd.s32 $0x10, s14  }
0x37: {  	v1 =	vld.msk [tilespmem:s15+$0x0 ss:$0x1], $0xffff;
	_ =	sdelay $0x2  }
0x38: {  	v2 =	vshrl.u32 v0, $0x2  }
0x39: {  	vm1 =	veq.s32 v0, $0x80000000;
	v0 =	vand.u32 $0x3, v0;
	v2 =	vand.u32 $0x7FFF, v2  }
0x3a: {  	v0 =	vsel vm1, $0xFFFFFFFF, v0;
	v6 =	vshrl.u32 v1, $0x2;
	v2 =	vsel vm1, $0xFFFFFFFF, v2  }
0x3b: {  	v3 =	vshrl.u32 v0, $0x2;
	v0 =	vshll.u32 v0, $0x7;
	vm1 =	veq.s32 v1, $0x80000000  }
0x3c: {  	s15 =	sadd.s32 $0x10, s15;
	v1 =	vand.u32 $0x3, v1;
	v4 =	vshll.u32 v2, $0x2;
	v3 =	vmul.u32 $0x17800, v3  }
0x3d: {  	v0 =	vand.u32 $0x180, v0;
	v7 =	vand.u32 $0x7F, v2;
	v5 =	vand.u32 $0xFFFFFE00, v4;
	v4 =	vld.msk [tilespmem:s15+$0x0 ss:$0x1], $0xffff  }
0x3e: {  	v1 =	vsel vm1, $0xFFFFFFFF, v1;
	v2 =	vadd.s32 v3, v5;
	v3 =	vand.u32 $0x7FFF, v6  }
0x3f: {  	v3 =	vsel vm1, $0xFFFFFFFF, v3;
	v0 =	vor.u32 v0, v2;
	v2 =	vshrl.u32 v1, $0x2  }
0x40: {  	v1 =	vshll.u32 v1, $0x7;
	v5 =	vshll.u32 v3, $0x2;
	v8 =	vmul.u32 $0x17800, v2  }
0x41: {  	s18 =	simm.s32 $0x30;
	s14 =	sadd.s32 $0x3C0, s14;
	s17 =	sadd.s32 $0x10, s15;
	v2 =	vand.u32 $0x180, v1;
	v0 =	vor.u32 v7, v0;
	v5 =	vand.u32 $0xFFFFFE00, v5  }
0x42: {  	s16 =	smov.u32 s14;
	s15 =	smov.u32 s14;
	v1 =	vld.msk [tilespmem:s17+$0x0 ss:$0x1], $0xffff;
	v3 =	vand.u32 $0x7F, v3;
	(ifvalue) =	ssetifvalue $0x7FFFFFFF;
	v6 =	vshrl.u32 v4, $0x2;
	v5 =	vadd.s32 v8, v5  }
.LBB2_3:
0x43: {  	s18 =	sadd.s32 $0x10, s18  }
0x44: {  	vm1 =	veq.s32 v4, $0x80000000;
	v4 =	vand.u32 $0x3, v4;
	v6 =	vand.u32 $0x7FFF, v6;
	s15 =	sadd.s32 $0x10, s15;
	p0 =	slt.u32 s18, $0x1D0  }
.Ltmp3:
0x45: {  	v5 =	vor.u32 v2, v5;
	v4 =	vsel vm1, $0xFFFFFFFF, v4;
	v7 =	vsel vm1, $0xFFFFFFFF, v6;
	(pc) =	sbr.rel @p0 .LBB2_3-.Ltmp3, $4  }
0x46: {  	v2 =	vshrl.u32 v4, $0x2;
	v6 =	vshll.u32 v7, $0x2;
	v4 =	vshll.u32 v4, $0x7;
	[tilespmem:s16], [sflag:$0x1] =	stream.indirect_vreg.gather [hbm4b:s2+s10], $0x1, v0, vm0, $0x4038;
	[tilespmem:$0x780] =	vst v63  }
0x47: {  	v0 =	vor.u32 v3, v5;
	s16 =	smov.u32 s15;
	v8 =	vmul.u32 $0x17800, v2;
	v2 =	vand.u32 $0x180, v4  }
0x48: {  	s17 =	sadd.s32 $0x10, s17;
	v9 =	vand.u32 $0xFFFFFE00, v6  }
0x49: {  	v3 =	vand.u32 $0x7F, v7;
	v6 =	vshrl.u32 v1, $0x2;
	v5 =	vadd.s32 v8, v9;
	(ifvalue) =	ssetifvalue $0x7FFFFFFF;
	v4 =	vmovc v1;
	v1 =	vld.msk [tilespmem:s17+$0x0 ss:$0x1], $0xffff  }
.Ltmp4:
0x4a: {  	_ = 	snop;
	(pc) =	sbr.rel .LBB2_4-.Ltmp4, $1  }
0x4b: {  	_ =	sdelay $0x3  }
.LBB2_6:
0x4c: {  	_ =	sfence.sel $0x180000  }
0x4d: {  	s2 =	simm.s32 $0x2;
	[bflag:$0x0] =	sbarrier.arrive $0xFFFF  }
0x4e: {  	s30 =	simm.s32 $0x3;
	[sflag:s2] =	ssyncpa.u1 $0x1  }
0x4f: {  	s31 =	simm.s32 $0x1;
	[sflag:s30] =	ssyncpa.u1 $0x1  }
0x50: {  	[sflag:s31] =	ssyncpa.u1 $0x1  }
0x51: {  	p0 =	sne.s32 s1, $0x0;
	_ =	strace $0x90000047  }
0x52: {  	s0 =	sadd.s32 @!p0 $0x100000, s0;
	[bflag:$0x2] =	sbarrier.arrive $0xFFFF  }
0x53: {  	[sflag:s0] =	ssyncadd.tile.s32 @!p0 $0x1;
	_ =	shalt  }
.Lfunc_end2:
_tile_overlayer_lowered:
.L_overlay_start_2:
0x54: {  	(tag) =	ssettag $0x2  }
0x55: {  	s0 =	rddreg [dreg:$0x0];
	s2 =	stileid.u32  }
0x56: {  	s1 =	rddreg [dreg:$0x1];
	p0 =	sne.s32 s2, $0x0  }
0x57: {  	s3 =	rddreg [dreg:$0x2];
	[bflag:$0x3] =	sbarrier.arrive $0xFFFF;
	s2 =	simm.s32 @!p0 $0x1C01  }
0x58: {  	[timem:s3], [sflag:s2] =	dma.local @!p0 [hbm:s0], s1  }
0x59: {  	s0 =	simm.s32 @!p0 $0x1  }
0x5a: {  	_ =	swait.ge @!p0 [sflag:s0], s1  }
0x5b: {  	s1 =	ssub.s32 @!p0 $0x0, s1;
	[sflag:s0] =	ssyncset.done @!p0 $0x0  }
0x5c: {  	[sflag:s0] =	ssyncadd.s32 @!p0 s1  }
0x5d: {  	[bflag:$0x3] =	sbarrier.arrive $0xFFFF  }
0x5e: {  	_ =	shalt  }

</sc_bundles>
